<compile_context>
chip_gen: v7x
topology: tpu7x:2x2x1
jax: 0.10.2.dev20260603
libtpu: 0.0.44.dev20260713+nightly
codegen_flags: <defaults>
</compile_context>

<pallas_src>
import jax
import jax.numpy as jnp
from jax import lax
from jax.experimental import pallas as pl
from jax.experimental.pallas import tpu as pltpu
from jax.experimental.pallas import tpu_sc as plsc

_NC = 2
_NS = 16
_NW = _NC * _NS

_B = 4096 * 200
_D = 128
_L = 128
_K = 2
_G = _K * _L
_IDX_ROWS = _B // _L
_ROWS_PER_W = _IDX_ROWS // _NW
_GROUPS = _ROWS_PER_W // _K
_PAIRS = _GROUPS // 2


def _emb_body(idx_hbm, table_hbm, out_hbm,
              idx_all, rows0, rows1, table_sp, gsem0, gsem1):
    rows = (rows0, rows1)
    gsems = (gsem0, gsem1)

    sid = lax.axis_index("s")
    wid = sid * _NC + lax.axis_index("c")
    idx_row0 = wid * _ROWS_PER_W
    out_row0 = idx_row0 * _L

    @pl.when(sid == 0)
    def _stage():
        pltpu.sync_copy(table_hbm, table_sp)

    pltpu.sync_copy(idx_hbm.at[pl.ds(idx_row0, _ROWS_PER_W)], idx_all)

    plsc.subcore_barrier()

    def fetch(b, g):
        for j in range(_K):
            pltpu.async_copy(
                table_sp.at[idx_all.at[g * _K + j]],
                rows[b].at[pl.ds(j * _L, _L)],
                gsems[b],
            )

    def drain_store(b, g):
        for j in range(_K):
            pltpu.make_async_copy(
                table_sp.at[idx_all.at[g * _K + j]],
                rows[b].at[pl.ds(j * _L, _L)],
                gsems[b],
            ).wait()
        pltpu.sync_copy(rows[b], out_hbm.at[pl.ds(out_row0 + g * _G, _G)])

    fetch(0, 0)
    fetch(1, 1)

    def step(t, carry):
        drain_store(0, 2 * t)
        fetch(0, 2 * t + 2)
        drain_store(1, 2 * t + 1)
        fetch(1, 2 * t + 3)
        return carry

    lax.fori_loop(0, _PAIRS - 1, step, 0)
    drain_store(0, 2 * (_PAIRS - 1))
    drain_store(1, 2 * (_PAIRS - 1) + 1)


_emb_kernel = pl.kernel(
    _emb_body,
    out_type=jax.ShapeDtypeStruct((_B, _D), jnp.float32),
    mesh=plsc.VectorSubcoreMesh(
        core_axis_name="c", subcore_axis_name="s",
        num_cores=_NC, num_subcores=_NS,
    ),
    scratch_types=[
        pltpu.VMEM((_ROWS_PER_W, _L), jnp.int32),
        pltpu.VMEM((_G, _D), jnp.float32),
        pltpu.VMEM((_G, _D), jnp.float32),
        pltpu.VMEM_SHARED((1001, _D), jnp.float32),
        pltpu.SemaphoreType.DMA,
        pltpu.SemaphoreType.DMA,
    ],
)


@jax.jit
def kernel(time_features, table):
    bsz, seq = time_features.shape
    idx = time_features.reshape(_IDX_ROWS, _L).astype(jnp.int32)
    table = table.at[0].set(0.0)
    out = _emb_kernel(idx, table)
    return out.reshape(bsz, seq, _D)

# --- scband reference (transcript-rebuilt; emitter-appended) ---
"""Pipeline reference for scband-time-embeddings-60172491816969 (READ-ONLY COPY).

The authoritative reference and input builder live on the scoring server;
editing this copy changes nothing except your own understanding.
"""

import jax, jax.numpy as jnp
import numpy as np


def setup_inputs(seed: int = 0) -> dict:
    key = jax.random.key(seed)
    k1, k2 = jax.random.split(key)
    time_features = jax.random.randint(k1, (4096, 200), 0, 1001, dtype=jnp.int64 if jax.config.jax_enable_x64 else jnp.int32)
    # nn.Embedding weight, padding_idx=0 row initialized to zeros
    table = jax.random.normal(k2, (1001, 128), dtype=jnp.float32)
    table = table.at[0].set(0.0)
    return {"time_features": time_features, "table": table}


def reference(time_features, table):
    # embedding lookup with padding_idx=0 semantics
    emb = jnp.take(table, time_features, axis=0)
    mask = (time_features != 0)[..., None].astype(emb.dtype)
    return emb * mask

if __name__ == "__main__":
    import jax
    _d = setup_inputs()
    print(jax.jit(kernel)(*tuple(_d.values())))

</pallas_src>

<mosaic_0001>
#map = affine_map<(d0, d1) -> (0, 0)>
module attributes {stable_mosaic.version = 14 : i64} {
  func.func @_emb_body(%arg0: i32, %arg1: i32, %arg2: memref<6400x128xi32, #tpu.memory_space<hbm>>, %arg3: memref<1001x128xf32, #tpu.memory_space<hbm>>, %arg4: memref<819200x128xf32, #tpu.memory_space<hbm>>, %arg5: memref<200x128xi32, #tpu.memory_space<vmem>>, %arg6: memref<256x128xf32, #tpu.memory_space<vmem>>, %arg7: memref<256x128xf32, #tpu.memory_space<vmem>>, %arg8: memref<1001x128xf32, #tpu.memory_space<vmem_shared>>, %arg9: memref<!tpu.dma_semaphore, #tpu.memory_space<semaphore_mem>>, %arg10: memref<!tpu.dma_semaphore, #tpu.memory_space<semaphore_mem>>) attributes {dimension_semantics = [#tpu.dimension_semantics<core_parallel>, #tpu.dimension_semantics<subcore_parallel>], iteration_bounds = array<i64: 2, 16>, scalar_prefetch = 0 : i64, scratch_operands = 6 : i64, tpu.core_type = #tpu.core_type<sc_vector_subcore>, window_params = [{transform_indices = #map}, {transform_indices = #map}, {transform_indices = #map}]} {
    %mul3A = arith.constant 2 : i32
    %mul3A_0 = arith.muli %arg1, %mul3A : i32
    %add3A = arith.addi %mul3A_0, %arg0 : i32
    %mul3A_1 = arith.constant 200 : i32
    %mul3A_2 = arith.muli %add3A, %mul3A_1 : i32
    %mul3A_3 = arith.constant 128 : i32
    %mul3A_4 = arith.muli %mul3A_2, %mul3A_3 : i32
    %eq3A = arith.constant 0 : i32
    %eq3A_5 = arith.cmpi eq, %arg1, %eq3A : i32
    %convert_element_type3A = arith.extui %eq3A_5 : i1 to i32
    %cond3A = arith.constant 0 : i32
    %cond3A_6 = arith.cmpi ne, %convert_element_type3A, %cond3A : i32
    scf.if %cond3A_6 {
      "tpu.region"() ({
        %run_scoped3A = tpu.sem_alloc : memref<!tpu.dma_semaphore, #tpu.memory_space<semaphore_mem>>
        tpu.enqueue_dma source(%arg3 : memref<1001x128xf32, #tpu.memory_space<hbm>>) target(%arg8 : memref<1001x128xf32, #tpu.memory_space<vmem_shared>>) target_semaphore(%run_scoped3A : memref<!tpu.dma_semaphore, #tpu.memory_space<semaphore_mem>>)
        tpu.wait_dma2 semaphore(%run_scoped3A : memref<!tpu.dma_semaphore, #tpu.memory_space<semaphore_mem>>) src(%arg3 : memref<1001x128xf32, #tpu.memory_space<hbm>>) dst(%arg8 : memref<1001x128xf32, #tpu.memory_space<vmem_shared>>)
        tpu.yield
      }) : () -> ()
    } else {
    }
    "tpu.region"() ({
      %run_scoped3A = tpu.sem_alloc : memref<!tpu.dma_semaphore, #tpu.memory_space<semaphore_mem>>
      %dma_start3A_94 = arith.constant 0 : i32
      %dma_start3A_95 = tpu.memref_slice %arg2[%mul3A_2, %dma_start3A_94] : memref<6400x128xi32, #tpu.memory_space<hbm>> -> memref<200x128xi32, #tpu.memory_space<hbm>>
      %dma_start3A_96 = arith.constant 0 : i32
      %dma_start3A_97 = tpu.memref_slice %arg2[%mul3A_2, %dma_start3A_96] : memref<6400x128xi32, #tpu.memory_space<hbm>> -> memref<200x128xi32, #tpu.memory_space<hbm>>
      tpu.enqueue_dma source(%dma_start3A_97 : memref<200x128xi32, #tpu.memory_space<hbm>>) target(%arg5 : memref<200x128xi32, #tpu.memory_space<vmem>>) target_semaphore(%run_scoped3A : memref<!tpu.dma_semaphore, #tpu.memory_space<semaphore_mem>>)
      %dma_wait3A_98 = arith.constant 0 : i32
      %dma_wait3A_99 = tpu.memref_slice %arg2[%mul3A_2, %dma_wait3A_98] : memref<6400x128xi32, #tpu.memory_space<hbm>> -> memref<200x128xi32, #tpu.memory_space<hbm>>
      %dma_wait3A_100 = arith.constant 0 : i32
      %dma_wait3A_101 = tpu.memref_slice %arg2[%mul3A_2, %dma_wait3A_100] : memref<6400x128xi32, #tpu.memory_space<hbm>> -> memref<200x128xi32, #tpu.memory_space<hbm>>
      tpu.wait_dma2 semaphore(%run_scoped3A : memref<!tpu.dma_semaphore, #tpu.memory_space<semaphore_mem>>) src(%dma_wait3A_101 : memref<200x128xi32, #tpu.memory_space<hbm>>) dst(%arg5 : memref<200x128xi32, #tpu.memory_space<vmem>>)
      tpu.yield
    }) : () -> ()
    %barrier3A = arith.constant 0 : index
    tpu.barrier barrier_id(%barrier3A)
    %dma_start3A = arith.constant 0 : i32
    %dma_start3A_7 = arith.constant 0 : i32
    %dma_start3A_8 = arith.constant 0 : i32
    %dma_start3A_9 = tpu.memref_slice %arg6[%dma_start3A_7, %dma_start3A_8] : memref<256x128xf32, #tpu.memory_space<vmem>> -> memref<128x128xf32, #tpu.memory_space<vmem>>
    %dma_start3A_10 = arith.constant 0 : i32
    %dma_start3A_11 = tpu.memref_slice %arg5[%dma_start3A, %dma_start3A_10] : memref<200x128xi32, #tpu.memory_space<vmem>> -> memref<1x128xi32, #tpu.memory_space<vmem>>
    %dma_start3A_12 = tpu.memref_squeeze %dma_start3A_11 : memref<1x128xi32, #tpu.memory_space<vmem>> -> memref<128xi32, #tpu.memory_space<vmem>>
    %dma_start3A_13 = arith.constant 0 : i32
    %dma_start3A_14 = arith.constant 0 : i32
    %dma_start3A_15 = tpu.memref_slice %arg8[%dma_start3A_13, %dma_start3A_14] : memref<1001x128xf32, #tpu.memory_space<vmem_shared>> -> memref<1001x128xf32, #tpu.memory_space<vmem_shared>>
    tpu.enqueue_indirect_dma source(%dma_start3A_15 : memref<1001x128xf32, #tpu.memory_space<vmem_shared>>) target(%dma_start3A_9 : memref<128x128xf32, #tpu.memory_space<vmem>>) offsets(%dma_start3A_12 : memref<128xi32, #tpu.memory_space<vmem>>) semaphore(%arg9 : memref<!tpu.dma_semaphore, #tpu.memory_space<semaphore_mem>>)
    %dma_start3A_16 = arith.constant 1 : i32
    %dma_start3A_17 = arith.constant 128 : i32
    %dma_start3A_18 = arith.constant 0 : i32
    %dma_start3A_19 = tpu.memref_slice %arg6[%dma_start3A_17, %dma_start3A_18] : memref<256x128xf32, #tpu.memory_space<vmem>> -> memref<128x128xf32, #tpu.memory_space<vmem>>
    %dma_start3A_20 = arith.constant 0 : i32
    %dma_start3A_21 = tpu.memref_slice %arg5[%dma_start3A_16, %dma_start3A_20] : memref<200x128xi32, #tpu.memory_space<vmem>> -> memref<1x128xi32, #tpu.memory_space<vmem>>
    %dma_start3A_22 = tpu.memref_squeeze %dma_start3A_21 : memref<1x128xi32, #tpu.memory_space<vmem>> -> memref<128xi32, #tpu.memory_space<vmem>>
    %dma_start3A_23 = arith.constant 0 : i32
    %dma_start3A_24 = arith.constant 0 : i32
    %dma_start3A_25 = tpu.memref_slice %arg8[%dma_start3A_23, %dma_start3A_24] : memref<1001x128xf32, #tpu.memory_space<vmem_shared>> -> memref<1001x128xf32, #tpu.memory_space<vmem_shared>>
    tpu.enqueue_indirect_dma source(%dma_start3A_25 : memref<1001x128xf32, #tpu.memory_space<vmem_shared>>) target(%dma_start3A_19 : memref<128x128xf32, #tpu.memory_space<vmem>>) offsets(%dma_start3A_22 : memref<128xi32, #tpu.memory_space<vmem>>) semaphore(%arg9 : memref<!tpu.dma_semaphore, #tpu.memory_space<semaphore_mem>>)
    %dma_start3A_26 = arith.constant 2 : i32
    %dma_start3A_27 = arith.constant 0 : i32
    %dma_start3A_28 = arith.constant 0 : i32
    %dma_start3A_29 = tpu.memref_slice %arg7[%dma_start3A_27, %dma_start3A_28] : memref<256x128xf32, #tpu.memory_space<vmem>> -> memref<128x128xf32, #tpu.memory_space<vmem>>
    %dma_start3A_30 = arith.constant 0 : i32
    %dma_start3A_31 = tpu.memref_slice %arg5[%dma_start3A_26, %dma_start3A_30] : memref<200x128xi32, #tpu.memory_space<vmem>> -> memref<1x128xi32, #tpu.memory_space<vmem>>
    %dma_start3A_32 = tpu.memref_squeeze %dma_start3A_31 : memref<1x128xi32, #tpu.memory_space<vmem>> -> memref<128xi32, #tpu.memory_space<vmem>>
    %dma_start3A_33 = arith.constant 0 : i32
    %dma_start3A_34 = arith.constant 0 : i32
    %dma_start3A_35 = tpu.memref_slice %arg8[%dma_start3A_33, %dma_start3A_34] : memref<1001x128xf32, #tpu.memory_space<vmem_shared>> -> memref<1001x128xf32, #tpu.memory_space<vmem_shared>>
    tpu.enqueue_indirect_dma source(%dma_start3A_35 : memref<1001x128xf32, #tpu.memory_space<vmem_shared>>) target(%dma_start3A_29 : memref<128x128xf32, #tpu.memory_space<vmem>>) offsets(%dma_start3A_32 : memref<128xi32, #tpu.memory_space<vmem>>) semaphore(%arg10 : memref<!tpu.dma_semaphore, #tpu.memory_space<semaphore_mem>>)
    %dma_start3A_36 = arith.constant 3 : i32
    %dma_start3A_37 = arith.constant 128 : i32
    %dma_start3A_38 = arith.constant 0 : i32
    %dma_start3A_39 = tpu.memref_slice %arg7[%dma_start3A_37, %dma_start3A_38] : memref<256x128xf32, #tpu.memory_space<vmem>> -> memref<128x128xf32, #tpu.memory_space<vmem>>
    %dma_start3A_40 = arith.constant 0 : i32
    %dma_start3A_41 = tpu.memref_slice %arg5[%dma_start3A_36, %dma_start3A_40] : memref<200x128xi32, #tpu.memory_space<vmem>> -> memref<1x128xi32, #tpu.memory_space<vmem>>
    %dma_start3A_42 = tpu.memref_squeeze %dma_start3A_41 : memref<1x128xi32, #tpu.memory_space<vmem>> -> memref<128xi32, #tpu.memory_space<vmem>>
    %dma_start3A_43 = arith.constant 0 : i32
    %dma_start3A_44 = arith.constant 0 : i32
    %dma_start3A_45 = tpu.memref_slice %arg8[%dma_start3A_43, %dma_start3A_44] : memref<1001x128xf32, #tpu.memory_space<vmem_shared>> -> memref<1001x128xf32, #tpu.memory_space<vmem_shared>>
    tpu.enqueue_indirect_dma source(%dma_start3A_45 : memref<1001x128xf32, #tpu.memory_space<vmem_shared>>) target(%dma_start3A_39 : memref<128x128xf32, #tpu.memory_space<vmem>>) offsets(%dma_start3A_42 : memref<128xi32, #tpu.memory_space<vmem>>) semaphore(%arg10 : memref<!tpu.dma_semaphore, #tpu.memory_space<semaphore_mem>>)
    %scan3A = arith.constant 0 : i32
    %scan3A_46 = arith.constant 0 : i32
    %scan3A_47 = arith.constant 49 : i32
    %scan3A_48 = arith.addi %scan3A_46, %scan3A_47 : i32
    %scan3A_49 = arith.constant 1 : i32
    scf.for %scan3A_94 = %scan3A_46 to %scan3A_48 step %scan3A_49  : i32 {
      %mul3A_95 = arith.constant 2 : i32
      %mul3A_96 = arith.muli %mul3A_95, %scan3A_94 : i32
      %mul3A_97 = arith.constant 2 : i32
      %mul3A_98 = arith.muli %mul3A_96, %mul3A_97 : i32
      %add3A_99 = arith.constant 0 : i32
      %add3A_100 = arith.addi %mul3A_98, %add3A_99 : i32
      %dma_wait3A_101 = arith.constant 0 : i32
      %dma_wait3A_102 = arith.constant 0 : i32
      %dma_wait3A_103 = tpu.memref_slice %arg6[%dma_wait3A_101, %dma_wait3A_102] : memref<256x128xf32, #tpu.memory_space<vmem>> -> memref<128x128xf32, #tpu.memory_space<vmem>>
      %dma_wait3A_104 = arith.constant 0 : i32
      %dma_wait3A_105 = tpu.memref_slice %arg5[%add3A_100, %dma_wait3A_104] : memref<200x128xi32, #tpu.memory_space<vmem>> -> memref<1x128xi32, #tpu.memory_space<vmem>>
      %dma_wait3A_106 = tpu.memref_squeeze %dma_wait3A_105 : memref<1x128xi32, #tpu.memory_space<vmem>> -> memref<128xi32, #tpu.memory_space<vmem>>
      %dma_wait3A_107 = arith.constant 0 : i32
      %dma_wait3A_108 = arith.constant 0 : i32
      %dma_wait3A_109 = tpu.memref_slice %arg8[%dma_wait3A_107, %dma_wait3A_108] : memref<1001x128xf32, #tpu.memory_space<vmem_shared>> -> memref<1001x128xf32, #tpu.memory_space<vmem_shared>>
      tpu.wait_indirect_dma semaphore(%arg9 : memref<!tpu.dma_semaphore, #tpu.memory_space<semaphore_mem>>) src(%dma_wait3A_109 : memref<1001x128xf32, #tpu.memory_space<vmem_shared>>) dst(%dma_wait3A_103 : memref<128x128xf32, #tpu.memory_space<vmem>>)
      %mul3A_110 = arith.constant 2 : i32
      %mul3A_111 = arith.muli %mul3A_96, %mul3A_110 : i32
      %add3A_112 = arith.constant 1 : i32
      %add3A_113 = arith.addi %mul3A_111, %add3A_112 : i32
      %dma_wait3A_114 = arith.constant 128 : i32
      %dma_wait3A_115 = arith.constant 0 : i32
      %dma_wait3A_116 = tpu.memref_slice %arg6[%dma_wait3A_114, %dma_wait3A_115] : memref<256x128xf32, #tpu.memory_space<vmem>> -> memref<128x128xf32, #tpu.memory_space<vmem>>
      %dma_wait3A_117 = arith.constant 0 : i32
      %dma_wait3A_118 = tpu.memref_slice %arg5[%add3A_113, %dma_wait3A_117] : memref<200x128xi32, #tpu.memory_space<vmem>> -> memref<1x128xi32, #tpu.memory_space<vmem>>
      %dma_wait3A_119 = tpu.memref_squeeze %dma_wait3A_118 : memref<1x128xi32, #tpu.memory_space<vmem>> -> memref<128xi32, #tpu.memory_space<vmem>>
      %dma_wait3A_120 = arith.constant 0 : i32
      %dma_wait3A_121 = arith.constant 0 : i32
      %dma_wait3A_122 = tpu.memref_slice %arg8[%dma_wait3A_120, %dma_wait3A_121] : memref<1001x128xf32, #tpu.memory_space<vmem_shared>> -> memref<1001x128xf32, #tpu.memory_space<vmem_shared>>
      tpu.wait_indirect_dma semaphore(%arg9 : memref<!tpu.dma_semaphore, #tpu.memory_space<semaphore_mem>>) src(%dma_wait3A_122 : memref<1001x128xf32, #tpu.memory_space<vmem_shared>>) dst(%dma_wait3A_116 : memref<128x128xf32, #tpu.memory_space<vmem>>)
      %mul3A_123 = arith.constant 256 : i32
      %mul3A_124 = arith.muli %mul3A_96, %mul3A_123 : i32
      %add3A_125 = arith.addi %mul3A_4, %mul3A_124 : i32
      "tpu.region"() ({
        %run_scoped3A = tpu.sem_alloc : memref<!tpu.dma_semaphore, #tpu.memory_space<semaphore_mem>>
        %dma_start3A_219 = arith.constant 0 : i32
        %dma_start3A_220 = tpu.memref_slice %arg4[%add3A_125, %dma_start3A_219] : memref<819200x128xf32, #tpu.memory_space<hbm>> -> memref<256x128xf32, #tpu.memory_space<hbm>>
        %dma_start3A_221 = arith.constant 0 : i32
        %dma_start3A_222 = tpu.memref_slice %arg4[%add3A_125, %dma_start3A_221] : memref<819200x128xf32, #tpu.memory_space<hbm>> -> memref<256x128xf32, #tpu.memory_space<hbm>>
        tpu.enqueue_dma source(%arg6 : memref<256x128xf32, #tpu.memory_space<vmem>>) target(%dma_start3A_222 : memref<256x128xf32, #tpu.memory_space<hbm>>) target_semaphore(%run_scoped3A : memref<!tpu.dma_semaphore, #tpu.memory_space<semaphore_mem>>)
        %dma_wait3A_223 = arith.constant 0 : i32
        %dma_wait3A_224 = tpu.memref_slice %arg4[%add3A_125, %dma_wait3A_223] : memref<819200x128xf32, #tpu.memory_space<hbm>> -> memref<256x128xf32, #tpu.memory_space<hbm>>
        %dma_wait3A_225 = arith.constant 0 : i32
        %dma_wait3A_226 = tpu.memref_slice %arg4[%add3A_125, %dma_wait3A_225] : memref<819200x128xf32, #tpu.memory_space<hbm>> -> memref<256x128xf32, #tpu.memory_space<hbm>>
        tpu.wait_dma2 semaphore(%run_scoped3A : memref<!tpu.dma_semaphore, #tpu.memory_space<semaphore_mem>>) src(%arg6 : memref<256x128xf32, #tpu.memory_space<vmem>>) dst(%dma_wait3A_226 : memref<256x128xf32, #tpu.memory_space<hbm>>)
        tpu.yield
      }) : () -> ()
      %mul3A_126 = arith.constant 2 : i32
      %mul3A_127 = arith.muli %mul3A_126, %scan3A_94 : i32
      %add3A_128 = arith.constant 2 : i32
      %add3A_129 = arith.addi %mul3A_127, %add3A_128 : i32
      %mul3A_130 = arith.constant 2 : i32
      %mul3A_131 = arith.muli %add3A_129, %mul3A_130 : i32
      %add3A_132 = arith.constant 0 : i32
      %add3A_133 = arith.addi %mul3A_131, %add3A_132 : i32
      %dma_start3A_134 = arith.constant 0 : i32
      %dma_start3A_135 = arith.constant 0 : i32
      %dma_start3A_136 = tpu.memref_slice %arg6[%dma_start3A_134, %dma_start3A_135] : memref<256x128xf32, #tpu.memory_space<vmem>> -> memref<128x128xf32, #tpu.memory_space<vmem>>
      %dma_start3A_137 = arith.constant 0 : i32
      %dma_start3A_138 = tpu.memref_slice %arg5[%add3A_133, %dma_start3A_137] : memref<200x128xi32, #tpu.memory_space<vmem>> -> memref<1x128xi32, #tpu.memory_space<vmem>>
      %dma_start3A_139 = tpu.memref_squeeze %dma_start3A_138 : memref<1x128xi32, #tpu.memory_space<vmem>> -> memref<128xi32, #tpu.memory_space<vmem>>
      %dma_start3A_140 = arith.constant 0 : i32
      %dma_start3A_141 = arith.constant 0 : i32
      %dma_start3A_142 = tpu.memref_slice %arg8[%dma_start3A_140, %dma_start3A_141] : memref<1001x128xf32, #tpu.memory_space<vmem_shared>> -> memref<1001x128xf32, #tpu.memory_space<vmem_shared>>
      tpu.enqueue_indirect_dma source(%dma_start3A_142 : memref<1001x128xf32, #tpu.memory_space<vmem_shared>>) target(%dma_start3A_136 : memref<128x128xf32, #tpu.memory_space<vmem>>) offsets(%dma_start3A_139 : memref<128xi32, #tpu.memory_space<vmem>>) semaphore(%arg9 : memref<!tpu.dma_semaphore, #tpu.memory_space<semaphore_mem>>)
      %mul3A_143 = arith.constant 2 : i32
      %mul3A_144 = arith.muli %add3A_129, %mul3A_143 : i32
      %add3A_145 = arith.constant 1 : i32
      %add3A_146 = arith.addi %mul3A_144, %add3A_145 : i32
      %dma_start3A_147 = arith.constant 128 : i32
      %dma_start3A_148 = arith.constant 0 : i32
      %dma_start3A_149 = tpu.memref_slice %arg6[%dma_start3A_147, %dma_start3A_148] : memref<256x128xf32, #tpu.memory_space<vmem>> -> memref<128x128xf32, #tpu.memory_space<vmem>>
      %dma_start3A_150 = arith.constant 0 : i32
      %dma_start3A_151 = tpu.memref_slice %arg5[%add3A_146, %dma_start3A_150] : memref<200x128xi32, #tpu.memory_space<vmem>> -> memref<1x128xi32, #tpu.memory_space<vmem>>
      %dma_start3A_152 = tpu.memref_squeeze %dma_start3A_151 : memref<1x128xi32, #tpu.memory_space<vmem>> -> memref<128xi32, #tpu.memory_space<vmem>>
      %dma_start3A_153 = arith.constant 0 : i32
      %dma_start3A_154 = arith.constant 0 : i32
      %dma_start3A_155 = tpu.memref_slice %arg8[%dma_start3A_153, %dma_start3A_154] : memref<1001x128xf32, #tpu.memory_space<vmem_shared>> -> memref<1001x128xf32, #tpu.memory_space<vmem_shared>>
      tpu.enqueue_indirect_dma source(%dma_start3A_155 : memref<1001x128xf32, #tpu.memory_space<vmem_shared>>) target(%dma_start3A_149 : memref<128x128xf32, #tpu.memory_space<vmem>>) offsets(%dma_start3A_152 : memref<128xi32, #tpu.memory_space<vmem>>) semaphore(%arg9 : memref<!tpu.dma_semaphore, #tpu.memory_space<semaphore_mem>>)
      %mul3A_156 = arith.constant 2 : i32
      %mul3A_157 = arith.muli %mul3A_156, %scan3A_94 : i32
      %add3A_158 = arith.constant 1 : i32
      %add3A_159 = arith.addi %mul3A_157, %add3A_158 : i32
      %mul3A_160 = arith.constant 2 : i32
      %mul3A_161 = arith.muli %add3A_159, %mul3A_160 : i32
      %add3A_162 = arith.constant 0 : i32
      %add3A_163 = arith.addi %mul3A_161, %add3A_162 : i32
      %dma_wait3A_164 = arith.constant 0 : i32
      %dma_wait3A_165 = arith.constant 0 : i32
      %dma_wait3A_166 = tpu.memref_slice %arg7[%dma_wait3A_164, %dma_wait3A_165] : memref<256x128xf32, #tpu.memory_space<vmem>> -> memref<128x128xf32, #tpu.memory_space<vmem>>
      %dma_wait3A_167 = arith.constant 0 : i32
      %dma_wait3A_168 = tpu.memref_slice %arg5[%add3A_163, %dma_wait3A_167] : memref<200x128xi32, #tpu.memory_space<vmem>> -> memref<1x128xi32, #tpu.memory_space<vmem>>
      %dma_wait3A_169 = tpu.memref_squeeze %dma_wait3A_168 : memref<1x128xi32, #tpu.memory_space<vmem>> -> memref<128xi32, #tpu.memory_space<vmem>>
      %dma_wait3A_170 = arith.constant 0 : i32
      %dma_wait3A_171 = arith.constant 0 : i32
      %dma_wait3A_172 = tpu.memref_slice %arg8[%dma_wait3A_170, %dma_wait3A_171] : memref<1001x128xf32, #tpu.memory_space<vmem_shared>> -> memref<1001x128xf32, #tpu.memory_space<vmem_shared>>
      tpu.wait_indirect_dma semaphore(%arg10 : memref<!tpu.dma_semaphore, #tpu.memory_space<semaphore_mem>>) src(%dma_wait3A_172 : memref<1001x128xf32, #tpu.memory_space<vmem_shared>>) dst(%dma_wait3A_166 : memref<128x128xf32, #tpu.memory_space<vmem>>)
      %mul3A_173 = arith.constant 2 : i32
      %mul3A_174 = arith.muli %add3A_159, %mul3A_173 : i32
      %add3A_175 = arith.constant 1 : i32
      %add3A_176 = arith.addi %mul3A_174, %add3A_175 : i32
      %dma_wait3A_177 = arith.constant 128 : i32
      %dma_wait3A_178 = arith.constant 0 : i32
      %dma_wait3A_179 = tpu.memref_slice %arg7[%dma_wait3A_177, %dma_wait3A_178] : memref<256x128xf32, #tpu.memory_space<vmem>> -> memref<128x128xf32, #tpu.memory_space<vmem>>
      %dma_wait3A_180 = arith.constant 0 : i32
      %dma_wait3A_181 = tpu.memref_slice %arg5[%add3A_176, %dma_wait3A_180] : memref<200x128xi32, #tpu.memory_space<vmem>> -> memref<1x128xi32, #tpu.memory_space<vmem>>
      %dma_wait3A_182 = tpu.memref_squeeze %dma_wait3A_181 : memref<1x128xi32, #tpu.memory_space<vmem>> -> memref<128xi32, #tpu.memory_space<vmem>>
      %dma_wait3A_183 = arith.constant 0 : i32
      %dma_wait3A_184 = arith.constant 0 : i32
      %dma_wait3A_185 = tpu.memref_slice %arg8[%dma_wait3A_183, %dma_wait3A_184] : memref<1001x128xf32, #tpu.memory_space<vmem_shared>> -> memref<1001x128xf32, #tpu.memory_space<vmem_shared>>
      tpu.wait_indirect_dma semaphore(%arg10 : memref<!tpu.dma_semaphore, #tpu.memory_space<semaphore_mem>>) src(%dma_wait3A_185 : memref<1001x128xf32, #tpu.memory_space<vmem_shared>>) dst(%dma_wait3A_179 : memref<128x128xf32, #tpu.memory_space<vmem>>)
      %mul3A_186 = arith.constant 256 : i32
      %mul3A_187 = arith.muli %add3A_159, %mul3A_186 : i32
      %add3A_188 = arith.addi %mul3A_4, %mul3A_187 : i32
      "tpu.region"() ({
        %run_scoped3A = tpu.sem_alloc : memref<!tpu.dma_semaphore, #tpu.memory_space<semaphore_mem>>
        %dma_start3A_219 = arith.constant 0 : i32
        %dma_start3A_220 = tpu.memref_slice %arg4[%add3A_188, %dma_start3A_219] : memref<819200x128xf32, #tpu.memory_space<hbm>> -> memref<256x128xf32, #tpu.memory_space<hbm>>
        %dma_start3A_221 = arith.constant 0 : i32
        %dma_start3A_222 = tpu.memref_slice %arg4[%add3A_188, %dma_start3A_221] : memref<819200x128xf32, #tpu.memory_space<hbm>> -> memref<256x128xf32, #tpu.memory_space<hbm>>
        tpu.enqueue_dma source(%arg7 : memref<256x128xf32, #tpu.memory_space<vmem>>) target(%dma_start3A_222 : memref<256x128xf32, #tpu.memory_space<hbm>>) target_semaphore(%run_scoped3A : memref<!tpu.dma_semaphore, #tpu.memory_space<semaphore_mem>>)
        %dma_wait3A_223 = arith.constant 0 : i32
        %dma_wait3A_224 = tpu.memref_slice %arg4[%add3A_188, %dma_wait3A_223] : memref<819200x128xf32, #tpu.memory_space<hbm>> -> memref<256x128xf32, #tpu.memory_space<hbm>>
        %dma_wait3A_225 = arith.constant 0 : i32
        %dma_wait3A_226 = tpu.memref_slice %arg4[%add3A_188, %dma_wait3A_225] : memref<819200x128xf32, #tpu.memory_space<hbm>> -> memref<256x128xf32, #tpu.memory_space<hbm>>
        tpu.wait_dma2 semaphore(%run_scoped3A : memref<!tpu.dma_semaphore, #tpu.memory_space<semaphore_mem>>) src(%arg7 : memref<256x128xf32, #tpu.memory_space<vmem>>) dst(%dma_wait3A_226 : memref<256x128xf32, #tpu.memory_space<hbm>>)
        tpu.yield
      }) : () -> ()
      %mul3A_189 = arith.constant 2 : i32
      %mul3A_190 = arith.muli %mul3A_189, %scan3A_94 : i32
      %add3A_191 = arith.constant 3 : i32
      %add3A_192 = arith.addi %mul3A_190, %add3A_191 : i32
      %mul3A_193 = arith.constant 2 : i32
      %mul3A_194 = arith.muli %add3A_192, %mul3A_193 : i32
      %add3A_195 = arith.constant 0 : i32
      %add3A_196 = arith.addi %mul3A_194, %add3A_195 : i32
      %dma_start3A_197 = arith.constant 0 : i32
      %dma_start3A_198 = arith.constant 0 : i32
      %dma_start3A_199 = tpu.memref_slice %arg7[%dma_start3A_197, %dma_start3A_198] : memref<256x128xf32, #tpu.memory_space<vmem>> -> memref<128x128xf32, #tpu.memory_space<vmem>>
      %dma_start3A_200 = arith.constant 0 : i32
      %dma_start3A_201 = tpu.memref_slice %arg5[%add3A_196, %dma_start3A_200] : memref<200x128xi32, #tpu.memory_space<vmem>> -> memref<1x128xi32, #tpu.memory_space<vmem>>
      %dma_start3A_202 = tpu.memref_squeeze %dma_start3A_201 : memref<1x128xi32, #tpu.memory_space<vmem>> -> memref<128xi32, #tpu.memory_space<vmem>>
      %dma_start3A_203 = arith.constant 0 : i32
      %dma_start3A_204 = arith.constant 0 : i32
      %dma_start3A_205 = tpu.memref_slice %arg8[%dma_start3A_203, %dma_start3A_204] : memref<1001x128xf32, #tpu.memory_space<vmem_shared>> -> memref<1001x128xf32, #tpu.memory_space<vmem_shared>>
      tpu.enqueue_indirect_dma source(%dma_start3A_205 : memref<1001x128xf32, #tpu.memory_space<vmem_shared>>) target(%dma_start3A_199 : memref<128x128xf32, #tpu.memory_space<vmem>>) offsets(%dma_start3A_202 : memref<128xi32, #tpu.memory_space<vmem>>) semaphore(%arg10 : memref<!tpu.dma_semaphore, #tpu.memory_space<semaphore_mem>>)
      %mul3A_206 = arith.constant 2 : i32
      %mul3A_207 = arith.muli %add3A_192, %mul3A_206 : i32
      %add3A_208 = arith.constant 1 : i32
      %add3A_209 = arith.addi %mul3A_207, %add3A_208 : i32
      %dma_start3A_210 = arith.constant 128 : i32
      %dma_start3A_211 = arith.constant 0 : i32
      %dma_start3A_212 = tpu.memref_slice %arg7[%dma_start3A_210, %dma_start3A_211] : memref<256x128xf32, #tpu.memory_space<vmem>> -> memref<128x128xf32, #tpu.memory_space<vmem>>
      %dma_start3A_213 = arith.constant 0 : i32
      %dma_start3A_214 = tpu.memref_slice %arg5[%add3A_209, %dma_start3A_213] : memref<200x128xi32, #tpu.memory_space<vmem>> -> memref<1x128xi32, #tpu.memory_space<vmem>>
      %dma_start3A_215 = tpu.memref_squeeze %dma_start3A_214 : memref<1x128xi32, #tpu.memory_space<vmem>> -> memref<128xi32, #tpu.memory_space<vmem>>
      %dma_start3A_216 = arith.constant 0 : i32
      %dma_start3A_217 = arith.constant 0 : i32
      %dma_start3A_218 = tpu.memref_slice %arg8[%dma_start3A_216, %dma_start3A_217] : memref<1001x128xf32, #tpu.memory_space<vmem_shared>> -> memref<1001x128xf32, #tpu.memory_space<vmem_shared>>
      tpu.enqueue_indirect_dma source(%dma_start3A_218 : memref<1001x128xf32, #tpu.memory_space<vmem_shared>>) target(%dma_start3A_212 : memref<128x128xf32, #tpu.memory_space<vmem>>) offsets(%dma_start3A_215 : memref<128xi32, #tpu.memory_space<vmem>>) semaphore(%arg10 : memref<!tpu.dma_semaphore, #tpu.memory_space<semaphore_mem>>)
    }
    %scan3A_50 = arith.constant 49 : i32
    %dma_wait3A = arith.constant 196 : i32
    %dma_wait3A_51 = arith.constant 0 : i32
    %dma_wait3A_52 = arith.constant 0 : i32
    %dma_wait3A_53 = tpu.memref_slice %arg6[%dma_wait3A_51, %dma_wait3A_52] : memref<256x128xf32, #tpu.memory_space<vmem>> -> memref<128x128xf32, #tpu.memory_space<vmem>>
    %dma_wait3A_54 = arith.constant 0 : i32
    %dma_wait3A_55 = tpu.memref_slice %arg5[%dma_wait3A, %dma_wait3A_54] : memref<200x128xi32, #tpu.memory_space<vmem>> -> memref<1x128xi32, #tpu.memory_space<vmem>>
    %dma_wait3A_56 = tpu.memref_squeeze %dma_wait3A_55 : memref<1x128xi32, #tpu.memory_space<vmem>> -> memref<128xi32, #tpu.memory_space<vmem>>
    %dma_wait3A_57 = arith.constant 0 : i32
    %dma_wait3A_58 = arith.constant 0 : i32
    %dma_wait3A_59 = tpu.memref_slice %arg8[%dma_wait3A_57, %dma_wait3A_58] : memref<1001x128xf32, #tpu.memory_space<vmem_shared>> -> memref<1001x128xf32, #tpu.memory_space<vmem_shared>>
    tpu.wait_indirect_dma semaphore(%arg9 : memref<!tpu.dma_semaphore, #tpu.memory_space<semaphore_mem>>) src(%dma_wait3A_59 : memref<1001x128xf32, #tpu.memory_space<vmem_shared>>) dst(%dma_wait3A_53 : memref<128x128xf32, #tpu.memory_space<vmem>>)
    %dma_wait3A_60 = arith.constant 197 : i32
    %dma_wait3A_61 = arith.constant 128 : i32
    %dma_wait3A_62 = arith.constant 0 : i32
    %dma_wait3A_63 = tpu.memref_slice %arg6[%dma_wait3A_61, %dma_wait3A_62] : memref<256x128xf32, #tpu.memory_space<vmem>> -> memref<128x128xf32, #tpu.memory_space<vmem>>
    %dma_wait3A_64 = arith.constant 0 : i32
    %dma_wait3A_65 = tpu.memref_slice %arg5[%dma_wait3A_60, %dma_wait3A_64] : memref<200x128xi32, #tpu.memory_space<vmem>> -> memref<1x128xi32, #tpu.memory_space<vmem>>
    %dma_wait3A_66 = tpu.memref_squeeze %dma_wait3A_65 : memref<1x128xi32, #tpu.memory_space<vmem>> -> memref<128xi32, #tpu.memory_space<vmem>>
    %dma_wait3A_67 = arith.constant 0 : i32
    %dma_wait3A_68 = arith.constant 0 : i32
    %dma_wait3A_69 = tpu.memref_slice %arg8[%dma_wait3A_67, %dma_wait3A_68] : memref<1001x128xf32, #tpu.memory_space<vmem_shared>> -> memref<1001x128xf32, #tpu.memory_space<vmem_shared>>
    tpu.wait_indirect_dma semaphore(%arg9 : memref<!tpu.dma_semaphore, #tpu.memory_space<semaphore_mem>>) src(%dma_wait3A_69 : memref<1001x128xf32, #tpu.memory_space<vmem_shared>>) dst(%dma_wait3A_63 : memref<128x128xf32, #tpu.memory_space<vmem>>)
    %add3A_70 = arith.constant 25088 : i32
    %add3A_71 = arith.addi %mul3A_4, %add3A_70 : i32
    "tpu.region"() ({
      %run_scoped3A = tpu.sem_alloc : memref<!tpu.dma_semaphore, #tpu.memory_space<semaphore_mem>>
      %dma_start3A_94 = arith.constant 0 : i32
      %dma_start3A_95 = tpu.memref_slice %arg4[%add3A_71, %dma_start3A_94] : memref<819200x128xf32, #tpu.memory_space<hbm>> -> memref<256x128xf32, #tpu.memory_space<hbm>>
      %dma_start3A_96 = arith.constant 0 : i32
      %dma_start3A_97 = tpu.memref_slice %arg4[%add3A_71, %dma_start3A_96] : memref<819200x128xf32, #tpu.memory_space<hbm>> -> memref<256x128xf32, #tpu.memory_space<hbm>>
      tpu.enqueue_dma source(%arg6 : memref<256x128xf32, #tpu.memory_space<vmem>>) target(%dma_start3A_97 : memref<256x128xf32, #tpu.memory_space<hbm>>) target_semaphore(%run_scoped3A : memref<!tpu.dma_semaphore, #tpu.memory_space<semaphore_mem>>)
      %dma_wait3A_98 = arith.constant 0 : i32
      %dma_wait3A_99 = tpu.memref_slice %arg4[%add3A_71, %dma_wait3A_98] : memref<819200x128xf32, #tpu.memory_space<hbm>> -> memref<256x128xf32, #tpu.memory_space<hbm>>
      %dma_wait3A_100 = arith.constant 0 : i32
      %dma_wait3A_101 = tpu.memref_slice %arg4[%add3A_71, %dma_wait3A_100] : memref<819200x128xf32, #tpu.memory_space<hbm>> -> memref<256x128xf32, #tpu.memory_space<hbm>>
      tpu.wait_dma2 semaphore(%run_scoped3A : memref<!tpu.dma_semaphore, #tpu.memory_space<semaphore_mem>>) src(%arg6 : memref<256x128xf32, #tpu.memory_space<vmem>>) dst(%dma_wait3A_101 : memref<256x128xf32, #tpu.memory_space<hbm>>)
      tpu.yield
    }) : () -> ()
    %dma_wait3A_72 = arith.constant 198 : i32
    %dma_wait3A_73 = arith.constant 0 : i32
    %dma_wait3A_74 = arith.constant 0 : i32
    %dma_wait3A_75 = tpu.memref_slice %arg7[%dma_wait3A_73, %dma_wait3A_74] : memref<256x128xf32, #tpu.memory_space<vmem>> -> memref<128x128xf32, #tpu.memory_space<vmem>>
    %dma_wait3A_76 = arith.constant 0 : i32
    %dma_wait3A_77 = tpu.memref_slice %arg5[%dma_wait3A_72, %dma_wait3A_76] : memref<200x128xi32, #tpu.memory_space<vmem>> -> memref<1x128xi32, #tpu.memory_space<vmem>>
    %dma_wait3A_78 = tpu.memref_squeeze %dma_wait3A_77 : memref<1x128xi32, #tpu.memory_space<vmem>> -> memref<128xi32, #tpu.memory_space<vmem>>
    %dma_wait3A_79 = arith.constant 0 : i32
    %dma_wait3A_80 = arith.constant 0 : i32
    %dma_wait3A_81 = tpu.memref_slice %arg8[%dma_wait3A_79, %dma_wait3A_80] : memref<1001x128xf32, #tpu.memory_space<vmem_shared>> -> memref<1001x128xf32, #tpu.memory_space<vmem_shared>>
    tpu.wait_indirect_dma semaphore(%arg10 : memref<!tpu.dma_semaphore, #tpu.memory_space<semaphore_mem>>) src(%dma_wait3A_81 : memref<1001x128xf32, #tpu.memory_space<vmem_shared>>) dst(%dma_wait3A_75 : memref<128x128xf32, #tpu.memory_space<vmem>>)
    %dma_wait3A_82 = arith.constant 199 : i32
    %dma_wait3A_83 = arith.constant 128 : i32
    %dma_wait3A_84 = arith.constant 0 : i32
    %dma_wait3A_85 = tpu.memref_slice %arg7[%dma_wait3A_83, %dma_wait3A_84] : memref<256x128xf32, #tpu.memory_space<vmem>> -> memref<128x128xf32, #tpu.memory_space<vmem>>
    %dma_wait3A_86 = arith.constant 0 : i32
    %dma_wait3A_87 = tpu.memref_slice %arg5[%dma_wait3A_82, %dma_wait3A_86] : memref<200x128xi32, #tpu.memory_space<vmem>> -> memref<1x128xi32, #tpu.memory_space<vmem>>
    %dma_wait3A_88 = tpu.memref_squeeze %dma_wait3A_87 : memref<1x128xi32, #tpu.memory_space<vmem>> -> memref<128xi32, #tpu.memory_space<vmem>>
    %dma_wait3A_89 = arith.constant 0 : i32
    %dma_wait3A_90 = arith.constant 0 : i32
    %dma_wait3A_91 = tpu.memref_slice %arg8[%dma_wait3A_89, %dma_wait3A_90] : memref<1001x128xf32, #tpu.memory_space<vmem_shared>> -> memref<1001x128xf32, #tpu.memory_space<vmem_shared>>
    tpu.wait_indirect_dma semaphore(%arg10 : memref<!tpu.dma_semaphore, #tpu.memory_space<semaphore_mem>>) src(%dma_wait3A_91 : memref<1001x128xf32, #tpu.memory_space<vmem_shared>>) dst(%dma_wait3A_85 : memref<128x128xf32, #tpu.memory_space<vmem>>)
    %add3A_92 = arith.constant 25344 : i32
    %add3A_93 = arith.addi %mul3A_4, %add3A_92 : i32
    "tpu.region"() ({
      %run_scoped3A = tpu.sem_alloc : memref<!tpu.dma_semaphore, #tpu.memory_space<semaphore_mem>>
      %dma_start3A_94 = arith.constant 0 : i32
      %dma_start3A_95 = tpu.memref_slice %arg4[%add3A_93, %dma_start3A_94] : memref<819200x128xf32, #tpu.memory_space<hbm>> -> memref<256x128xf32, #tpu.memory_space<hbm>>
      %dma_start3A_96 = arith.constant 0 : i32
      %dma_start3A_97 = tpu.memref_slice %arg4[%add3A_93, %dma_start3A_96] : memref<819200x128xf32, #tpu.memory_space<hbm>> -> memref<256x128xf32, #tpu.memory_space<hbm>>
      tpu.enqueue_dma source(%arg7 : memref<256x128xf32, #tpu.memory_space<vmem>>) target(%dma_start3A_97 : memref<256x128xf32, #tpu.memory_space<hbm>>) target_semaphore(%run_scoped3A : memref<!tpu.dma_semaphore, #tpu.memory_space<semaphore_mem>>)
      %dma_wait3A_98 = arith.constant 0 : i32
      %dma_wait3A_99 = tpu.memref_slice %arg4[%add3A_93, %dma_wait3A_98] : memref<819200x128xf32, #tpu.memory_space<hbm>> -> memref<256x128xf32, #tpu.memory_space<hbm>>
      %dma_wait3A_100 = arith.constant 0 : i32
      %dma_wait3A_101 = tpu.memref_slice %arg4[%add3A_93, %dma_wait3A_100] : memref<819200x128xf32, #tpu.memory_space<hbm>> -> memref<256x128xf32, #tpu.memory_space<hbm>>
      tpu.wait_dma2 semaphore(%run_scoped3A : memref<!tpu.dma_semaphore, #tpu.memory_space<semaphore_mem>>) src(%arg7 : memref<256x128xf32, #tpu.memory_space<vmem>>) dst(%dma_wait3A_101 : memref<256x128xf32, #tpu.memory_space<hbm>>)
      tpu.yield
    }) : () -> ()
    return
  }
}

</mosaic_0001>

<sc_bundles>
// kernel: kernel.3.cloned.1.call-start
scs
__scs_entry_jumppad:
0x0: {  	(pc) =	sbr.rel $0x88, $3  }
0x1: {  	(tag) =	ssettag $0x0;
	lr =	simm.s32 $0x1  }
0x2: {  	[smem:$0x3F9F] =	sst lr;
	_ =	strace $0xD0000000  }
0x3: {  	_ = 	snop  }
0x4: {  	_ = 	snop  }
0x5: {  	_ = 	snop  }
0x6: {  	_ = 	snop  }
0x7: {  	_ = 	snop  }
__scs_overlays_trampoline_lowered:
0x8: {  	[smem:$0x3FAE] =	sst s0  }
0x9: {  	[smem:$0x3FAF] =	sst s1  }
0xa: {  	[smem:$0x3FB0] =	sst s2  }
0xb: {  	[smem:$0x3FB1] =	sst s3  }
0xc: {  	[smem:$0x3FB2] =	sst s4  }
0xd: {  	[smem:$0x3FB3] =	sst s5  }
0xe: {  	[smem:$0x3FB4] =	sst s6  }
0xf: {  	[smem:$0x3FB5] =	sst s7  }
0x10: {  	[smem:$0x3FB6] =	sst s8  }
0x11: {  	[smem:$0x3FB7] =	sst s9;
	s0 =	simm.s32 @!p0 $0x0  }
0x12: {  	s1 =	sld [smem:$0x3F9D];
	s0 =	simm.s32 @p0 $0x1  }
0x13: {  	[smem:$0x3FB8] =	sst s0;
	s0 =	simm.s32 @!p1 $0x0  }
0x14: {  	s2 =	sld [smem:$0x3F9C];
	s0 =	simm.s32 @p1 $0x1  }
0x15: {  	[smem:$0x3FB9] =	sst s0;
	s0 =	simm.s32 @!p2 $0x0  }
0x16: {  	s3 =	sld [smem:$0x3FDB];
	s0 =	simm.s32 @p2 $0x1  }
0x17: {  	s4 =	simm.s32 $0x1BF5;
	[smem:$0x3FBB] =	sst s0  }
0x18: {  	s0 =	sld [smem:$0x3F9E];
	_ =	swait.ge [sflag:s4], $0x0  }
0x19: {  	s7 =	sld [smem:$0x3F9F]  }
0x1a: {  	s8 =	sadd.s32 $0xFFFFE003, lr  }
0x1b: {  	s9 =	sadd.s32 $0xFFFFFEF7, lr;
	s5 =	simm.s32 $0xFFFFFFFF;
	p2 =	slt.u32 s8, $0xFFFFF086  }
0x1c: {  	p1 =	slt.u32 s9, $0xF7A;
	s5 =	simm.s32 @!p2 $0x0  }
0x1d: {  	s5 =	simm.s32 @p1 $0x1;
	p0 =	seq.s32 s7, s2  }
0x1e: {  	s7 =	smul.u32 @!p0 $0xF7A, s2;
	p2 =	seq.s32 @!p0 s5, $0x0  }
0x1f: {  	s9 =	smul.u32 $0xF7A, s1;
	s8 =	simm.s32 @!p0 $0x1BF5;
	p2 =	por !p2, p0  }
0x20: {  	[sflag:s8] =	ssyncset.s32 @!p0 $0xFFFFF086;
	s6 =	sadd.s32 @!p0 s3, s7;
	s7 =	simm.s32 @!p0 $0x108  }
0x21: {  	s3 =	sadd.s32 s3, s9;
	s6 =	sadd.s32 @!p0 $0x88, s6;
	s7 =	simm.s32 @p2 $0x1082  }
0x22: {  	[simem:s7], [sflag:s8] =	dma.local @!p0 [hbm:s6], $0xF7A  }
0x23: {  	s9 =	sor.u32 $0xD0000000, s2;
	s6 =	simm.s32 $0x108;
	_ =	swait.ge @!p0 [sflag:s8], $0x0  }
0x24: {  	s3 =	sadd.s32 $0x88, s3;
	s6 =	simm.s32 @!p1 $0x1082;
	[sflag:s4] =	ssyncset.s32 $0xFFFFF086  }
0x25: {  	[simem:s6], [sflag:s4] =	dma.local [hbm:s3], $0xF7A  }
0x26: {  	[smem:$0x3F9F] =	sst s1;
	(tag) =	ssettag s2;
	_ =	strace s9  }
0x27: {  	s1 =	sld [smem:$0x3FAF]  }
0x28: {  	s2 =	sld [smem:$0x3FB0]  }
0x29: {  	s4 =	sld [smem:$0x3FB2]  }
0x2a: {  	p0 =	seq.s32 s5, $0x0;
	s5 =	sld [smem:$0x3FB3]  }
0x2b: {  	s6 =	sld [smem:$0x3FB4]  }
0x2c: {  	s7 =	sld [smem:$0x3FB5]  }
0x2d: {  	s3 =	simm.s32 $0x108;
	s8 =	sld [smem:$0x3FB6]  }
0x2e: {  	s3 =	simm.s32 @!p0 $0x1082;
	s9 =	sld [smem:$0x3FB7]  }
0x2f: {  	lr =	sadd.s32 s0, s3;
	s0 =	sld [smem:$0x3FAE]  }
0x30: {  	s3 =	sld [smem:$0x3FB1]  }
0x31: {  	[smem:$0x3FBA] =	sst s10  }
0x32: {  	s10 =	sld [smem:$0x3FB8];
	_ =	sdelay $0x3  }
0x33: {  	p0 =	seq.s32 s10, $0x1;
	s10 =	sld [smem:$0x3FBA];
	_ =	sdelay $0x3  }
0x34: {  	[smem:$0x3FBA] =	sst s10  }
0x35: {  	s10 =	sld [smem:$0x3FB9];
	_ =	sdelay $0x3  }
0x36: {  	p1 =	seq.s32 s10, $0x1;
	s10 =	sld [smem:$0x3FBA];
	_ =	sdelay $0x3  }
0x37: {  	[smem:$0x3FBA] =	sst s10  }
0x38: {  	s10 =	sld [smem:$0x3FBB]  }
0x39: {  	_ = 	snop;
	(pc) =	sbr.ind lr, $3  }
0x3a: {  	_ = 	snop  }
0x3b: {  	_ = 	snop  }
0x3c: {  	p2 =	seq.s32 s10, $0x1;
	s10 =	sld [smem:$0x3FBA]  }
0x3d: {  	_ =	shalt  }
0x3e: {  	_ =	shalt  }
0x3f: {  	_ =	shalt  }
0x40: {  	_ =	shalt  }
0x41: {  	_ =	shalt  }
0x42: {  	_ =	shalt  }
0x43: {  	_ =	shalt  }
0x44: {  	_ =	shalt  }
0x45: {  	_ =	shalt  }
0x46: {  	_ =	shalt  }
0x47: {  	_ =	shalt  }
0x48: {  	_ =	shalt  }
0x49: {  	_ =	shalt  }
0x4a: {  	_ =	shalt  }
0x4b: {  	_ =	shalt  }
0x4c: {  	_ =	shalt  }
0x4d: {  	_ =	shalt  }
0x4e: {  	_ =	shalt  }
0x4f: {  	_ =	shalt  }
0x50: {  	_ =	shalt  }
0x51: {  	_ =	shalt  }
0x52: {  	_ =	shalt  }
0x53: {  	_ =	shalt  }
0x54: {  	_ =	shalt  }
0x55: {  	_ =	shalt  }
0x56: {  	_ =	shalt  }
0x57: {  	_ =	shalt  }
0x58: {  	_ =	shalt  }
0x59: {  	_ =	shalt  }
0x5a: {  	_ =	shalt  }
0x5b: {  	_ =	shalt  }
0x5c: {  	_ =	shalt  }
0x5d: {  	_ =	shalt  }
0x5e: {  	_ =	shalt  }
0x5f: {  	_ =	shalt  }
0x60: {  	_ =	shalt  }
0x61: {  	_ =	shalt  }
0x62: {  	_ =	shalt  }
0x63: {  	_ =	shalt  }
0x64: {  	_ =	shalt  }
0x65: {  	_ =	shalt  }
0x66: {  	_ =	shalt  }
0x67: {  	_ =	shalt  }
0x68: {  	_ =	shalt  }
0x69: {  	_ =	shalt  }
0x6a: {  	_ =	shalt  }
0x6b: {  	_ =	shalt  }
0x6c: {  	_ =	shalt  }
0x6d: {  	_ =	shalt  }
0x6e: {  	_ =	shalt  }
0x6f: {  	_ =	shalt  }
0x70: {  	_ =	shalt  }
0x71: {  	_ =	shalt  }
0x72: {  	_ =	shalt  }
0x73: {  	_ =	shalt  }
0x74: {  	_ =	shalt  }
0x75: {  	_ =	shalt  }
0x76: {  	_ =	shalt  }
0x77: {  	_ =	shalt  }
0x78: {  	_ =	shalt  }
0x79: {  	_ =	shalt  }
0x7a: {  	_ =	shalt  }
0x7b: {  	_ =	shalt  }
0x7c: {  	_ =	shalt  }
0x7d: {  	_ =	shalt  }
0x7e: {  	_ =	shalt  }
0x7f: {  	_ =	shalt  }
0x80: {  	_ =	shalt  }
0x81: {  	_ =	shalt  }
0x82: {  	_ =	shalt  }
0x83: {  	_ =	shalt  }
0x84: {  	_ =	shalt  }
0x85: {  	_ =	shalt  }
0x86: {  	_ =	shalt  }
0x87: {  	_ =	shalt  }
.Lfunc_end0:
.L_simem_size_0:
called_computation_lowered:
.L_overlay_start_0:
0x88: {  	s2 =	sld [smem:$0x3FD9]  }
0x89: {  	s3 =	sld [smem:$0x3FFE];
	_ =	sdelay $0x1  }
0x8a: {  	s1 =	srdreg.scid  }
0x8b: {  	s0 =	sand.u32 $0x1, s1  }
0x8c: {  	s17 =	sshll.u32 s0, $0xA;
	s2 =	sadd.s32 s3, s2  }
0x8d: {  	s2 =	sadd.s32 s2, s17  }
0x8e: {  	[smem:$0x3FC6] =	sst s2  }
0x8f: {  	_ = 	snop  }
0x90: {  	s2 =	sld [smem:$0x3FD0];
	(tm) =	ssettm $0x1  }
0x91: {  	s18 =	sld [smem:$0x3FFB];
	_ =	sdelay $0x3  }
0x92: {  	_ =	strace s18  }
0x93: {  	s3 =	sld [smem:$0x3FFC];
	_ =	sdelay $0x3  }
0x94: {  	_ =	strace s3  }
0x95: {  	s3 =	sld [smem:$0x3FFD];
	_ =	sdelay $0x3  }
0x96: {  	_ =	strace s3  }
0x97: {  	_ =	strace $0x8FFFFFFF  }
0x98: {  	s19 =	sld [smem:$0x3FDB];
	_ =	sdelay $0x1  }
0x99: {  	s4 =	simm.s32 $_scs_section_size  }
0x9a: {  	s5 =	simm.s32 $_size__tile_overlayer_lowered;
	s6 =	simm.s32 $_tile_overlayer_lowered  }
0x9b: {  	s22 =	simm.s32 $0x1BFF;
	s21 =	sshll.u32 s6, $0x1;
	s3 =	sadd.s32 s4, s19  }
0x9c: {  	s7 =	simm.s32 $0x0;
	s20 =	sshll.u32 s5, $0x1;
	s5 =	sadd.s32 s21, s3  }
0x9d: {  	[timem:s7], [sflag:s22] =	dma.local [hbm:s5], s20  }
0x9e: {  	_ =	swait.ge [sflag:s22], s20  }
0x9f: {  	s4 =	ssub.s32 $0x0, s20;
	[sflag:s22] =	ssyncset.done $0x0  }
0xa0: {  	[sflag:s22] =	ssyncadd.s32 s4;
	_ =	sdelay $0x1  }
0xa1: {  	s23 =	simm.s32 $0x1B8B  }
0xa2: {  	_ =	swait.ge [sflag:s23], $0x1  }
0xa3: {  	[sflag:s23] =	ssyncset.done $0x0  }
0xa4: {  	s25 =	simm.s32 $0x1B8E;
	s24 =	sld [smem:$0x3FFE];
	[sflag:s23] =	ssyncadd.s32 $0xFFFFFFFF  }
0xa5: {  	s26 =	simm.s32 $execute0_lowered;
	[smem:$0x3FD2] =	sst s25  }
0xa6: {  	s5 =	sshll.u32 s26, $0x1;
	_ =	strace $0x80000046;
	[dreg:$0x1] =	wrdreg $0xFFFFFFFF  }
0xa7: {  	s28 =	simm.s32 $_size_execute0_lowered;
	s3 =	sadd.s32 s3, s5;
	[dreg:$0x0] =	wrdreg $0x0  }
0xa8: {  	s5 =	sshll.u32 s28, $0x1;
	[dreg:$0x2] =	wrdreg s3  }
0xa9: {  	[dreg:$0x3] =	wrdreg s5  }
0xaa: {  	[dreg:$0x4] =	wrdreg $0xC0  }
0xab: {  	_ =	task [dreg:s7], $0x5FFFF  }
0xac: {  	[dreg:$0x1] =	wrdreg $0xFFFFFFFF  }
0xad: {  	[dreg:$0x0] =	wrdreg $0x60  }
0xae: {  	[dreg:$0x2] =	wrdreg s24  }
0xaf: {  	[dreg:$0x3] =	wrdreg s2  }
0xb0: {  	[dreg:$0x4] =	wrdreg $0x164000  }
0xb1: {  	[dreg:$0x5] =	wrdreg $0x9  }
0xb2: {  	_ =	task.clear_ibuf [dreg:s7], $0x6FFFF;
	_ =	strace $0x90000046  }
0xb3: {  	s29 =	simm.s32 $0x9;
	_ =	strace $0x80000048  }
0xb4: {  	_ =	swait.ge [sflag:s29], $0x1  }
0xb5: {  	[sflag:s29] =	ssyncadd.s32 $0xFFFFFFFF  }
0xb6: {  	_ =	strace $0x90000048  }
0xb7: {  	_ =	sfence  }
0xb8: {  	s30 =	sld [smem:$0x0];
	_ =	sdelay $0x2  }
0xb9: {  	s31 =	sshll.u32 s1, $0xD;
	s1 =	sshrl.u32 s1, $0x2  }
0xba: {  	s3 =	sand.u32 $0x4000, s31;
	s1 =	sadd.s32 s1, s30  }
0xbb: {  	s0 =	sor.u32 s3, s0;
	s1 =	sshll.u32 s1, $0x11  }
0xbc: {  	s0 =	sor.u32 s1, s0  }
0xbd: {  	s0 =	sadd.s32 $0x8F2B, s0  }
0xbe: {  	[sflag:s0] =	ssyncadd.remote.s32 $0x1  }
0xbf: {  	_ =	sfence.sel $0xFFFF  }
0xc0: {  	[dreg:$0x0] =	wrdreg $0xFFFFFFFF;
	(pc) =	sbr.abs _section_cstart, $3  }
0xc1: {  	[dreg:$0x1] =	wrdreg $0xFFFFFFFF  }
0xc2: {  	_ =	task.clear_ibuf [dreg:s7], $0x2FFFF;
	_ =	strace $0x9FFFFFFF  }
0xc3: {  	(tm) =	ssettm $0x7FFFFFFF  }
tec
execute0_lowered:
.L_overlay_start_1:
0x0: {  	(tag) =	ssettag $0x1  }
0x1: {  	s3 =	rddreg [dreg:$0x0]  }
0x2: {  	s0 =	srdreg.scid;
	s9 =	rddreg [dreg:$0x1]  }
0x3: {  	s10 =	stileid.u32;
	s1 =	rddreg [dreg:$0x2];
	s2 =	simm.s32 $0x0  }
0x4: {  	s15 =	simm.s32 $0x100;
	s16 =	simm.s32 $0xE400;
	s17 =	simm.s32 $0x180  }
0x5: {  	s18 =	simm.s32 $0x12400;
	s19 =	simm.s32 $0x1;
	s20 =	simm.s32 $0x2  }
0x6: {  	s21 =	simm.s32 $0x0;
	s6 =	sand.u32 $0x1, s0;
	s8 =	smul.u32 $0xC8000, s10  }
0x7: {  	s29 =	sshll.u32 s10, $0x1;
	s0 =	rddreg [dreg:$0x3];
	s12 =	smul.u32 $0x640000, s10  }
0x8: {  	[smem:$0x7FF] =	sst s2;
	p0 =	sne.s32 s10, $0x0;
	s13 =	smul.u32 $0x320000, s6  }
0x9: {  	s4 =	sor.u32 s6, s29;
	_ =	strace $0x80000047;
	s14 =	smul.u32 $0x64000, s6  }
0xa: {  	s7 =	ssub.s32 $0x2, s6;
	s10 =	sshrl.u32 @!p0 s1, $0x3;
	s5 =	smul.u32 $0xC80, s4  }
0xb: {  	s4 =	smul.u32 $0x320000, s4;
	s11 =	sshrl.u32 s7, $0x1;
	s8 =	sadd.s32 s8, s9  }
0xc: {  	s7 =	ssub.s32 s7, s11;
	s31 =	sadd.s32 s13, s12;
	s8 =	sadd.s32 s14, s8  }
0xd: {  	s12 =	simm.s32 $0x80;
	s13 =	simm.s32 $0x6400;
	s14 =	simm.s32 $0xA400  }
0xe: {  	s5 =	sadd.s32 s5, s3;
	s3 =	sadd.s32 $0x19600, s3;
	s4 =	sshrl.u32 s4, $0x3  }
0xf: {  	s7 =	smax.u32 s7, $0x1;
	s11 =	sshrl.u32 s31, $0x3;
	s8 =	sadd.s32 $0x1000, s8  }
0x10: {  	s30 =	sadd.s32 s9, s4;
	s4 =	sadd.s32 $0x600, s5;
	s9 =	sadd.s32 s11, s9  }
0x11: {  	s11 =	simm.s32 $0x3;
	s5 =	sadd.s32 $0x62000, s30;
	s6 =	sadd.s32 $0x63000, s30  }
.LBB2_1:
0x12: {  	s22 =	simm.s32 @!p0 $0x1C03  }
0x13: {  	[spmem:s10], [sflag:s22] =	dma.local @!p0 [hbm:s3], $0x3E90  }
0x14: {  	s22 =	simm.s32 @!p0 $0x3  }
0x15: {  	_ =	swait.ge @!p0 [sflag:s22], $0x3E90  }
0x16: {  	[sflag:s22] =	ssyncset.done @!p0 $0x0  }
0x17: {  	[sflag:s22] =	ssyncadd.s32 @!p0 $0xFFFFC170  }
0x18: {  	[tilespmem:s2], [sflag:$0x3] =	stream.linear.gather [hbm4b:s4+s2], $0x6400, $0x38;
	[tilespmem:$0x18348] =	vst v63  }
0x19: {  	_ =	swait.ge [sflag:s11], $0x6400  }
0x1a: {  	[sflag:s11] =	ssyncset.done $0x0  }
0x1b: {  	[sflag:s11] =	ssyncadd.s32 $0xFFFF9C00  }
0x1c: {  	[bflag:$0x0] =	sbarrier.arrive $0xFFFF  }
0x1d: {  	[tilespmem:s13], [sflag:$0x1] =	stream.indirect.gather [spmem:s1], $0x80, s2, s12, $0xb8;
	[tilespmem:$0x18348] =	vst v63  }
0x1e: {  	_ = 	snop  }
0x1f: {  	[tilespmem:s14], [sflag:$0x1] =	stream.indirect.gather [spmem:s1], $0x80, s12, s12, $0xb8;
	[tilespmem:$0x18348] =	vst v63  }
0x20: {  	_ = 	snop  }
0x21: {  	[tilespmem:s16], [sflag:$0x2] =	stream.indirect.gather [spmem:s1], $0x80, s15, s12, $0xb8;
	[tilespmem:$0x18348] =	vst v63  }
0x22: {  	_ = 	snop  }
0x23: {  	[tilespmem:s18], [sflag:$0x2] =	stream.indirect.gather [spmem:s1], $0x80, s17, s12, $0xb8;
	[tilespmem:$0x18348] =	vst v63  }
0x24: {  	_ =	swait.ge [sflag:s19], $0x4000  }
0x25: {  	[sflag:s19] =	ssyncset.done $0x0  }
0x26: {  	[sflag:s19] =	ssyncadd.s32 $0xFFFFC000  }
0x27: {  	_ =	swait.ge [sflag:s19], $0x4000  }
0x28: {  	[sflag:s19] =	ssyncset.done $0x0  }
0x29: {  	[sflag:s19] =	ssyncadd.s32 $0xFFFFC000  }
0x2a: {  	[hbm4b:s9+s2] =	stream.linear.scatter [tilespmem:s13], [sflag:$0x3], $0x8000, $0x38;
	[tilespmem:$0x18348] =	vst v63  }
0x2b: {  	_ =	swait.ge [sflag:s11], $0x8000  }
0x2c: {  	[sflag:s11] =	ssyncset.done $0x0  }
0x2d: {  	s29 =	simm.s32 $0x200;
	[sflag:s11] =	ssyncadd.s32 $0xFFFF8000  }
0x2e: {  	[tilespmem:s13], [sflag:$0x1] =	stream.indirect.gather [spmem:s1], $0x80, s29, s12, $0xb8;
	[tilespmem:$0x18348] =	vst v63  }
0x2f: {  	s30 =	simm.s32 $0x280  }
0x30: {  	[tilespmem:s14], [sflag:$0x1] =	stream.indirect.gather [spmem:s1], $0x80, s30, s12, $0xb8;
	[tilespmem:$0x18348] =	vst v63  }
0x31: {  	_ =	swait.ge [sflag:s20], $0x4000  }
0x32: {  	[sflag:s20] =	ssyncset.done $0x0  }
0x33: {  	[sflag:s20] =	ssyncadd.s32 $0xFFFFC000  }
0x34: {  	_ =	swait.ge [sflag:s20], $0x4000  }
0x35: {  	[sflag:s20] =	ssyncset.done $0x0  }
0x36: {  	[sflag:s20] =	ssyncadd.s32 $0xFFFFC000  }
0x37: {  	[hbm4b:s8+s2] =	stream.linear.scatter [tilespmem:s16], [sflag:$0x3], $0x8000, $0x38;
	[tilespmem:$0x18348] =	vst v63  }
0x38: {  	s31 =	simm.s32 $0x300;
	_ =	swait.ge [sflag:s11], $0x8000  }
0x39: {  	s25 =	simm.s32 $0x380;
	s23 =	sadd.s32 $0x2000, s8;
	[sflag:s11] =	ssyncset.done $0x0  }
0x3a: {  	s24 =	sadd.s32 $0x2000, s9;
	s22 =	simm.s32 $0x800;
	[sflag:s11] =	ssyncadd.s32 $0xFFFF8000  }
0x3b: {  	[tilespmem:s16], [sflag:$0x2] =	stream.indirect.gather [spmem:s1], $0x80, s31, s12, $0xb8;
	[tilespmem:$0x18348] =	vst v63  }
.LBB2_2:
0x3c: {  	[tilespmem:s18], [sflag:$0x2] =	stream.indirect.gather [spmem:s1], $0x80, s25, s12, $0xb8;
	[tilespmem:$0x18348] =	vst v63  }
0x3d: {  	s25 =	smov.u32 s22  }
0x3e: {  	p1 =	sne.s32 s22, $0x18000;
	s22 =	sadd.s32 $0x800, s22;
	_ =	swait.ge [sflag:s19], $0x4000  }
0x3f: {  	[sflag:s19] =	ssyncset.done $0x0  }
0x40: {  	[sflag:s19] =	ssyncadd.s32 $0xFFFFC000  }
0x41: {  	_ =	swait.ge [sflag:s19], $0x4000  }
0x42: {  	[sflag:s19] =	ssyncset.done $0x0  }
0x43: {  	[sflag:s19] =	ssyncadd.s32 $0xFFFFC000  }
0x44: {  	[hbm4b:s24+s2] =	stream.linear.scatter [tilespmem:s13], [sflag:$0x3], $0x8000, $0x38;
	[tilespmem:$0x18348] =	vst v63  }
0x45: {  	_ =	swait.ge [sflag:s11], $0x8000  }
0x46: {  	s25 =	sshra.s32 s25, $0x2;
	[sflag:s11] =	ssyncset.done $0x0  }
0x47: {  	s26 =	sadd.s32 $0x200, s25;
	[sflag:s11] =	ssyncadd.s32 $0xFFFF8000  }
0x48: {  	[tilespmem:s13], [sflag:$0x1] =	stream.indirect.gather [spmem:s1], $0x80, s26, s12, $0xb8;
	[tilespmem:$0x18348] =	vst v63  }
0x49: {  	s26 =	sadd.s32 $0x280, s25  }
0x4a: {  	[tilespmem:s14], [sflag:$0x1] =	stream.indirect.gather [spmem:s1], $0x80, s26, s12, $0xb8;
	[tilespmem:$0x18348] =	vst v63  }
0x4b: {  	_ =	swait.ge [sflag:s20], $0x4000  }
0x4c: {  	[sflag:s20] =	ssyncset.done $0x0  }
0x4d: {  	[sflag:s20] =	ssyncadd.s32 $0xFFFFC000  }
0x4e: {  	_ =	swait.ge [sflag:s20], $0x4000  }
0x4f: {  	[sflag:s20] =	ssyncset.done $0x0  }
0x50: {  	[sflag:s20] =	ssyncadd.s32 $0xFFFFC000  }
0x51: {  	[hbm4b:s23+s2] =	stream.linear.scatter [tilespmem:s16], [sflag:$0x3], $0x8000, $0x38;
	[tilespmem:$0x18348] =	vst v63  }
.Ltmp0:
0x52: {  	_ =	swait.ge [sflag:s11], $0x8000;
	(pc) =	sbr.rel @p1 .LBB2_2-.Ltmp0, $4  }
0x53: {  	[sflag:s11] =	ssyncset.done $0x0  }
0x54: {  	s26 =	sadd.s32 $0x300, s25;
	[sflag:s11] =	ssyncadd.s32 $0xFFFF8000  }
0x55: {  	[tilespmem:s16], [sflag:$0x2] =	stream.indirect.gather [spmem:s1], $0x80, s26, s12, $0xb8;
	[tilespmem:$0x18348] =	vst v63  }
0x56: {  	s24 =	sadd.s32 $0x2000, s24;
	s25 =	sadd.s32 $0x380, s25;
	s23 =	sadd.s32 $0x2000, s23  }
0x57: {  	[tilespmem:s18], [sflag:$0x2] =	stream.indirect.gather [spmem:s1], $0x80, s25, s12, $0xb8;
	[tilespmem:$0x18348] =	vst v63  }
0x58: {  	_ =	swait.ge [sflag:s19], $0x4000  }
0x59: {  	[sflag:s19] =	ssyncset.done $0x0  }
0x5a: {  	[sflag:s19] =	ssyncadd.s32 $0xFFFFC000  }
0x5b: {  	_ =	swait.ge [sflag:s19], $0x4000  }
0x5c: {  	[sflag:s19] =	ssyncset.done $0x0  }
0x5d: {  	[sflag:s19] =	ssyncadd.s32 $0xFFFFC000  }
0x5e: {  	[hbm4b:s5+s2] =	stream.linear.scatter [tilespmem:s13], [sflag:$0x3], $0x8000, $0x38;
	[tilespmem:$0x18348] =	vst v63  }
0x5f: {  	_ =	swait.ge [sflag:s11], $0x8000  }
0x60: {  	[sflag:s11] =	ssyncset.done $0x0  }
0x61: {  	[sflag:s11] =	ssyncadd.s32 $0xFFFF8000  }
0x62: {  	_ =	swait.ge [sflag:s20], $0x4000  }
0x63: {  	[sflag:s20] =	ssyncset.done $0x0  }
0x64: {  	[sflag:s20] =	ssyncadd.s32 $0xFFFFC000  }
0x65: {  	s21 =	sadd.s32 $0x1, s21;
	_ =	swait.ge [sflag:s20], $0x4000  }
0x66: {  	p1 =	sne.s32 s21, s7;
	[sflag:s20] =	ssyncset.done $0x0  }
.Ltmp1:
0x67: {  	[sflag:s20] =	ssyncadd.s32 $0xFFFFC000;
	(pc) =	sbr.rel @p1 .LBB2_1-.Ltmp1, $4  }
0x68: {  	[hbm4b:s6+s2] =	stream.linear.scatter [tilespmem:s16], [sflag:$0x3], $0x8000, $0x38;
	[tilespmem:$0x18348] =	vst v63  }
0x69: {  	_ =	swait.ge [sflag:s11], $0x8000  }
0x6a: {  	[sflag:s11] =	ssyncset.done $0x0  }
0x6b: {  	[sflag:s11] =	ssyncadd.s32 $0xFFFF8000  }
0x6c: {  	_ =	sfence.sel $0x180000  }
0x6d: {  	[bflag:$0x0] =	sbarrier.arrive $0xFFFF  }
0x6e: {  	_ =	strace $0x90000047  }
0x6f: {  	s0 =	sadd.s32 @!p0 $0x100000, s0;
	[bflag:$0x2] =	sbarrier.arrive $0xFFFF  }
0x70: {  	[sflag:s0] =	ssyncadd.tile.s32 @!p0 $0x1;
	_ =	shalt  }
.Lfunc_end2:
_tile_overlayer_lowered:
.L_overlay_start_2:
0x71: {  	(tag) =	ssettag $0x2  }
0x72: {  	s0 =	rddreg [dreg:$0x0];
	s2 =	stileid.u32  }
0x73: {  	s1 =	rddreg [dreg:$0x1];
	p0 =	sne.s32 s2, $0x0  }
0x74: {  	s3 =	rddreg [dreg:$0x2];
	[bflag:$0x3] =	sbarrier.arrive $0xFFFF;
	s2 =	simm.s32 @!p0 $0x1C03  }
0x75: {  	[timem:s3], [sflag:s2] =	dma.local @!p0 [hbm:s0], s1  }
0x76: {  	s0 =	simm.s32 @!p0 $0x3  }
0x77: {  	_ =	swait.ge @!p0 [sflag:s0], s1  }
0x78: {  	s1 =	ssub.s32 @!p0 $0x0, s1;
	[sflag:s0] =	ssyncset.done @!p0 $0x0  }
0x79: {  	[sflag:s0] =	ssyncadd.s32 @!p0 s1  }
0x7a: {  	[bflag:$0x3] =	sbarrier.arrive $0xFFFF  }
0x7b: {  	_ =	shalt  }

</sc_bundles>
